<compile_context>
chip_gen: v7x
topology: tpu7x:2x2x1
jax: 0.10.2.dev20260603
libtpu: 0.0.44.dev20260713+nightly
codegen_flags: <defaults>
</compile_context>

<pallas_src>
import jax, jax.numpy as jnp
from jax import lax
from jax.experimental import pallas as pl
from jax.experimental.pallas import tpu as pltpu, tpu_sc as plsc

_N = 1048576
_CH = 128
_NW = 32
_RPW = _N // _NW
_NCH = _RPW // _CH


def _body(pos_hbm, spin_hbm, out_hbm, p0, p1, s0, s1, o0, sem_p0, sem_p1,
          sem_s0, sem_s1):
    wid = lax.axis_index("s") * 2 + lax.axis_index("c")
    base = wid * _RPW

    pbufs, sbufs = (p0, p1), (s0, s1)
    psems, ssems = (sem_p0, sem_p1), (sem_s0, sem_s1)

    pltpu.async_copy(pos_hbm.at[pl.ds(base, _CH), :], p0, sem_p0)
    pltpu.async_copy(spin_hbm.at[pl.ds(base, _CH), :], s0, sem_s0)

    def pair(g, carry):
        for b in range(2):
            ch = g * 2 + b
            nxt = 1 - b

            @pl.when(ch + 1 < _NCH)
            def _():
                off = base + (ch + 1) * _CH
                pltpu.async_copy(pos_hbm.at[pl.ds(off, _CH), :], pbufs[nxt],
                                 psems[nxt])
                pltpu.async_copy(spin_hbm.at[pl.ds(off, _CH), :], sbufs[nxt],
                                 ssems[nxt])

            pltpu.make_async_copy(pos_hbm.at[pl.ds(base, _CH), :], pbufs[b],
                                  psems[b]).wait()
            pltpu.make_async_copy(spin_hbm.at[pl.ds(base, _CH), :], sbufs[b],
                                  ssems[b]).wait()
        return carry

    lax.fori_loop(0, _NCH // 2, pair, 0)
    pltpu.sync_copy(o0, out_hbm.at[pl.ds(base, _CH), :])


@jax.jit
def _probe(position, spin):
    mesh = plsc.VectorSubcoreMesh(core_axis_name="c", subcore_axis_name="s",
                                  num_cores=2, num_subcores=16)
    return pl.kernel(
        _body,
        out_type=jax.ShapeDtypeStruct((_N, 1), jnp.float32),
        mesh=mesh,
        compiler_params=pltpu.CompilerParams(needs_layout_passes=False),
        scratch_types=[
            pltpu.VMEM((_CH, 3), jnp.float32), pltpu.VMEM((_CH, 3), jnp.float32),
            pltpu.VMEM((_CH, 1), jnp.float32), pltpu.VMEM((_CH, 1), jnp.float32),
            pltpu.VMEM((_CH, 1), jnp.float32),
            pltpu.SemaphoreType.DMA, pltpu.SemaphoreType.DMA,
            pltpu.SemaphoreType.DMA, pltpu.SemaphoreType.DMA,
        ])(position, spin)


def kernel(position, spin, spin_table, pos_W, pos_b, attn_W, attn_b, down_W,
           down_b):
    return _probe(position, spin)

# --- scband reference (transcript-rebuilt; emitter-appended) ---
"""Pipeline reference for scband-chi-10909216931858 (READ-ONLY COPY).

The authoritative reference and input builder live on the scoring server;
editing this copy changes nothing except your own understanding.
"""

import jax, jax.numpy as jnp
import numpy as np

N = 1048576
HDIM = 64

def setup_inputs(seed: int = 0) -> dict:
    key = jax.random.key(seed)
    ks = jax.random.split(key, 8)
    position = jax.random.normal(ks[0], (N, 3), dtype=jnp.float32)
    spin = jax.random.normal(ks[1], (N, 1), dtype=jnp.float32)
    # learned params (sized per init_kwargs: hdim=64)
    spin_table = jax.random.normal(ks[2], (2, HDIM), dtype=jnp.float32) * 0.02
    pos_W = jax.random.normal(ks[3], (3, HDIM), dtype=jnp.float32) * (1.0 / np.sqrt(3.0))
    pos_b = jnp.zeros((HDIM,), dtype=jnp.float32)
    attn_W = jax.random.normal(ks[4], (HDIM, HDIM), dtype=jnp.float32) * (1.0 / np.sqrt(HDIM))
    attn_b = jnp.zeros((HDIM,), dtype=jnp.float32)
    down_W = jax.random.normal(ks[5], (HDIM, 1), dtype=jnp.float32) * (1.0 / np.sqrt(HDIM))
    down_b = jnp.zeros((1,), dtype=jnp.float32)
    return {
        'position': position,
        'spin': spin,
        'spin_table': spin_table,
        'pos_W': pos_W,
        'pos_b': pos_b,
        'attn_W': attn_W,
        'attn_b': attn_b,
        'down_W': down_W,
        'down_b': down_b,
    }

def reference(position, spin, spin_table, pos_W, pos_b, attn_W, attn_b, down_W, down_b):
    # spin -> {0,1} class ids
    spin_classes = jnp.where(spin > 0, 1, 0)                 # [N, 1] int
    # embedding lookup on 2-row table
    spin_embedding = jnp.take(spin_table, spin_classes, axis=0)  # [N, 1, hdim]
    spin_embedding = jnp.squeeze(spin_embedding, axis=-2)        # [N, hdim]
    # position encoder (Linear 3 -> hdim)
    position_embedding = position @ pos_W + pos_b                # [N, hdim]
    combined_embedding = spin_embedding + position_embedding     # [N, hdim]
    attention_output = combined_embedding @ attn_W + attn_b      # [N, hdim]
    out = attention_output @ down_W + down_b                     # [N, 1]
    return out

if __name__ == "__main__":
    import jax
    _d = setup_inputs()
    print(jax.jit(kernel)(*tuple(_d.values())))

</pallas_src>

<mosaic_0001>
#map = affine_map<(d0, d1) -> (0, 0)>
module attributes {stable_mosaic.version = 14 : i64} {
  func.func @_body(%arg0: i32, %arg1: i32, %arg2: memref<1048576x3xf32, #tpu.memory_space<hbm>>, %arg3: memref<1048576x1xf32, #tpu.memory_space<hbm>>, %arg4: memref<1048576x1xf32, #tpu.memory_space<hbm>>, %arg5: memref<128x3xf32, #tpu.memory_space<vmem>>, %arg6: memref<128x3xf32, #tpu.memory_space<vmem>>, %arg7: memref<128x1xf32, #tpu.memory_space<vmem>>, %arg8: memref<128x1xf32, #tpu.memory_space<vmem>>, %arg9: memref<128x1xf32, #tpu.memory_space<vmem>>, %arg10: memref<!tpu.dma_semaphore, #tpu.memory_space<semaphore_mem>>, %arg11: memref<!tpu.dma_semaphore, #tpu.memory_space<semaphore_mem>>, %arg12: memref<!tpu.dma_semaphore, #tpu.memory_space<semaphore_mem>>, %arg13: memref<!tpu.dma_semaphore, #tpu.memory_space<semaphore_mem>>) attributes {dimension_semantics = [#tpu.dimension_semantics<core_parallel>, #tpu.dimension_semantics<subcore_parallel>], iteration_bounds = array<i64: 2, 16>, scalar_prefetch = 0 : i64, scratch_operands = 9 : i64, tpu.core_type = #tpu.core_type<sc_vector_subcore>, window_params = [{transform_indices = #map}, {transform_indices = #map}, {transform_indices = #map}]} {
    %mul3A = arith.constant 2 : i32
    %mul3A_0 = arith.muli %arg1, %mul3A : i32
    %add3A = arith.addi %mul3A_0, %arg0 : i32
    %mul3A_1 = arith.constant 32768 : i32
    %mul3A_2 = arith.muli %add3A, %mul3A_1 : i32
    %dma_start3A = arith.constant 0 : i32
    %dma_start3A_3 = tpu.memref_slice %arg2[%mul3A_2, %dma_start3A] : memref<1048576x3xf32, #tpu.memory_space<hbm>> -> memref<128x3xf32, #tpu.memory_space<hbm>>
    %dma_start3A_4 = arith.constant 0 : i32
    %dma_start3A_5 = tpu.memref_slice %arg2[%mul3A_2, %dma_start3A_4] : memref<1048576x3xf32, #tpu.memory_space<hbm>> -> memref<128x3xf32, #tpu.memory_space<hbm>>
    tpu.enqueue_dma source(%dma_start3A_5 : memref<128x3xf32, #tpu.memory_space<hbm>>) target(%arg5 : memref<128x3xf32, #tpu.memory_space<vmem>>) target_semaphore(%arg10 : memref<!tpu.dma_semaphore, #tpu.memory_space<semaphore_mem>>)
    %dma_start3A_6 = arith.constant 0 : i32
    %dma_start3A_7 = tpu.memref_slice %arg3[%mul3A_2, %dma_start3A_6] : memref<1048576x1xf32, #tpu.memory_space<hbm>> -> memref<128x1xf32, #tpu.memory_space<hbm>>
    %dma_start3A_8 = arith.constant 0 : i32
    %dma_start3A_9 = tpu.memref_slice %arg3[%mul3A_2, %dma_start3A_8] : memref<1048576x1xf32, #tpu.memory_space<hbm>> -> memref<128x1xf32, #tpu.memory_space<hbm>>
    tpu.enqueue_dma source(%dma_start3A_9 : memref<128x1xf32, #tpu.memory_space<hbm>>) target(%arg7 : memref<128x1xf32, #tpu.memory_space<vmem>>) target_semaphore(%arg12 : memref<!tpu.dma_semaphore, #tpu.memory_space<semaphore_mem>>)
    %scan3A = arith.constant 0 : i32
    %scan3A_10 = arith.constant 0 : i32
    %scan3A_11 = arith.constant 128 : i32
    %scan3A_12 = arith.addi %scan3A_10, %scan3A_11 : i32
    %scan3A_13 = arith.constant 1 : i32
    scf.for %scan3A_15 = %scan3A_10 to %scan3A_12 step %scan3A_13  : i32 {
      %mul3A_16 = arith.constant 2 : i32
      %mul3A_17 = arith.muli %scan3A_15, %mul3A_16 : i32
      %add3A_18 = arith.constant 0 : i32
      %add3A_19 = arith.addi %mul3A_17, %add3A_18 : i32
      %add3A_20 = arith.constant 1 : i32
      %add3A_21 = arith.addi %add3A_19, %add3A_20 : i32
      %lt3A = arith.constant 256 : i32
      %lt3A_22 = arith.cmpi slt, %add3A_21, %lt3A : i32
      %convert_element_type3A = arith.extui %lt3A_22 : i1 to i32
      %cond3A = arith.constant 0 : i32
      %cond3A_23 = arith.cmpi ne, %convert_element_type3A, %cond3A : i32
      scf.if %cond3A_23 {
        %add3A_50 = arith.constant 1 : i32
        %add3A_51 = arith.addi %add3A_19, %add3A_50 : i32
        %mul3A_52 = arith.constant 128 : i32
        %mul3A_53 = arith.muli %add3A_51, %mul3A_52 : i32
        %add3A_54 = arith.addi %mul3A_2, %mul3A_53 : i32
        %dma_start3A_55 = arith.constant 0 : i32
        %dma_start3A_56 = tpu.memref_slice %arg2[%add3A_54, %dma_start3A_55] : memref<1048576x3xf32, #tpu.memory_space<hbm>> -> memref<128x3xf32, #tpu.memory_space<hbm>>
        %dma_start3A_57 = arith.constant 0 : i32
        %dma_start3A_58 = tpu.memref_slice %arg2[%add3A_54, %dma_start3A_57] : memref<1048576x3xf32, #tpu.memory_space<hbm>> -> memref<128x3xf32, #tpu.memory_space<hbm>>
        tpu.enqueue_dma source(%dma_start3A_58 : memref<128x3xf32, #tpu.memory_space<hbm>>) target(%arg6 : memref<128x3xf32, #tpu.memory_space<vmem>>) target_semaphore(%arg11 : memref<!tpu.dma_semaphore, #tpu.memory_space<semaphore_mem>>)
        %dma_start3A_59 = arith.constant 0 : i32
        %dma_start3A_60 = tpu.memref_slice %arg3[%add3A_54, %dma_start3A_59] : memref<1048576x1xf32, #tpu.memory_space<hbm>> -> memref<128x1xf32, #tpu.memory_space<hbm>>
        %dma_start3A_61 = arith.constant 0 : i32
        %dma_start3A_62 = tpu.memref_slice %arg3[%add3A_54, %dma_start3A_61] : memref<1048576x1xf32, #tpu.memory_space<hbm>> -> memref<128x1xf32, #tpu.memory_space<hbm>>
        tpu.enqueue_dma source(%dma_start3A_62 : memref<128x1xf32, #tpu.memory_space<hbm>>) target(%arg8 : memref<128x1xf32, #tpu.memory_space<vmem>>) target_semaphore(%arg13 : memref<!tpu.dma_semaphore, #tpu.memory_space<semaphore_mem>>)
      } else {
      }
      %dma_wait3A = arith.constant 0 : i32
      %dma_wait3A_24 = tpu.memref_slice %arg2[%mul3A_2, %dma_wait3A] : memref<1048576x3xf32, #tpu.memory_space<hbm>> -> memref<128x3xf32, #tpu.memory_space<hbm>>
      %dma_wait3A_25 = arith.constant 0 : i32
      %dma_wait3A_26 = tpu.memref_slice %arg2[%mul3A_2, %dma_wait3A_25] : memref<1048576x3xf32, #tpu.memory_space<hbm>> -> memref<128x3xf32, #tpu.memory_space<hbm>>
      tpu.wait_dma2 semaphore(%arg10 : memref<!tpu.dma_semaphore, #tpu.memory_space<semaphore_mem>>) src(%dma_wait3A_26 : memref<128x3xf32, #tpu.memory_space<hbm>>) dst(%arg5 : memref<128x3xf32, #tpu.memory_space<vmem>>)
      %dma_wait3A_27 = arith.constant 0 : i32
      %dma_wait3A_28 = tpu.memref_slice %arg3[%mul3A_2, %dma_wait3A_27] : memref<1048576x1xf32, #tpu.memory_space<hbm>> -> memref<128x1xf32, #tpu.memory_space<hbm>>
      %dma_wait3A_29 = arith.constant 0 : i32
      %dma_wait3A_30 = tpu.memref_slice %arg3[%mul3A_2, %dma_wait3A_29] : memref<1048576x1xf32, #tpu.memory_space<hbm>> -> memref<128x1xf32, #tpu.memory_space<hbm>>
      tpu.wait_dma2 semaphore(%arg12 : memref<!tpu.dma_semaphore, #tpu.memory_space<semaphore_mem>>) src(%dma_wait3A_30 : memref<128x1xf32, #tpu.memory_space<hbm>>) dst(%arg7 : memref<128x1xf32, #tpu.memory_space<vmem>>)
      %mul3A_31 = arith.constant 2 : i32
      %mul3A_32 = arith.muli %scan3A_15, %mul3A_31 : i32
      %add3A_33 = arith.constant 1 : i32
      %add3A_34 = arith.addi %mul3A_32, %add3A_33 : i32
      %add3A_35 = arith.constant 1 : i32
      %add3A_36 = arith.addi %add3A_34, %add3A_35 : i32
      %lt3A_37 = arith.constant 256 : i32
      %lt3A_38 = arith.cmpi slt, %add3A_36, %lt3A_37 : i32
      %convert_element_type3A_39 = arith.extui %lt3A_38 : i1 to i32
      %cond3A_40 = arith.constant 0 : i32
      %cond3A_41 = arith.cmpi ne, %convert_element_type3A_39, %cond3A_40 : i32
      scf.if %cond3A_41 {
        %add3A_50 = arith.constant 1 : i32
        %add3A_51 = arith.addi %add3A_34, %add3A_50 : i32
        %mul3A_52 = arith.constant 128 : i32
        %mul3A_53 = arith.muli %add3A_51, %mul3A_52 : i32
        %add3A_54 = arith.addi %mul3A_2, %mul3A_53 : i32
        %dma_start3A_55 = arith.constant 0 : i32
        %dma_start3A_56 = tpu.memref_slice %arg2[%add3A_54, %dma_start3A_55] : memref<1048576x3xf32, #tpu.memory_space<hbm>> -> memref<128x3xf32, #tpu.memory_space<hbm>>
        %dma_start3A_57 = arith.constant 0 : i32
        %dma_start3A_58 = tpu.memref_slice %arg2[%add3A_54, %dma_start3A_57] : memref<1048576x3xf32, #tpu.memory_space<hbm>> -> memref<128x3xf32, #tpu.memory_space<hbm>>
        tpu.enqueue_dma source(%dma_start3A_58 : memref<128x3xf32, #tpu.memory_space<hbm>>) target(%arg5 : memref<128x3xf32, #tpu.memory_space<vmem>>) target_semaphore(%arg10 : memref<!tpu.dma_semaphore, #tpu.memory_space<semaphore_mem>>)
        %dma_start3A_59 = arith.constant 0 : i32
        %dma_start3A_60 = tpu.memref_slice %arg3[%add3A_54, %dma_start3A_59] : memref<1048576x1xf32, #tpu.memory_space<hbm>> -> memref<128x1xf32, #tpu.memory_space<hbm>>
        %dma_start3A_61 = arith.constant 0 : i32
        %dma_start3A_62 = tpu.memref_slice %arg3[%add3A_54, %dma_start3A_61] : memref<1048576x1xf32, #tpu.memory_space<hbm>> -> memref<128x1xf32, #tpu.memory_space<hbm>>
        tpu.enqueue_dma source(%dma_start3A_62 : memref<128x1xf32, #tpu.memory_space<hbm>>) target(%arg7 : memref<128x1xf32, #tpu.memory_space<vmem>>) target_semaphore(%arg12 : memref<!tpu.dma_semaphore, #tpu.memory_space<semaphore_mem>>)
      } else {
      }
      %dma_wait3A_42 = arith.constant 0 : i32
      %dma_wait3A_43 = tpu.memref_slice %arg2[%mul3A_2, %dma_wait3A_42] : memref<1048576x3xf32, #tpu.memory_space<hbm>> -> memref<128x3xf32, #tpu.memory_space<hbm>>
      %dma_wait3A_44 = arith.constant 0 : i32
      %dma_wait3A_45 = tpu.memref_slice %arg2[%mul3A_2, %dma_wait3A_44] : memref<1048576x3xf32, #tpu.memory_space<hbm>> -> memref<128x3xf32, #tpu.memory_space<hbm>>
      tpu.wait_dma2 semaphore(%arg11 : memref<!tpu.dma_semaphore, #tpu.memory_space<semaphore_mem>>) src(%dma_wait3A_45 : memref<128x3xf32, #tpu.memory_space<hbm>>) dst(%arg6 : memref<128x3xf32, #tpu.memory_space<vmem>>)
      %dma_wait3A_46 = arith.constant 0 : i32
      %dma_wait3A_47 = tpu.memref_slice %arg3[%mul3A_2, %dma_wait3A_46] : memref<1048576x1xf32, #tpu.memory_space<hbm>> -> memref<128x1xf32, #tpu.memory_space<hbm>>
      %dma_wait3A_48 = arith.constant 0 : i32
      %dma_wait3A_49 = tpu.memref_slice %arg3[%mul3A_2, %dma_wait3A_48] : memref<1048576x1xf32, #tpu.memory_space<hbm>> -> memref<128x1xf32, #tpu.memory_space<hbm>>
      tpu.wait_dma2 semaphore(%arg13 : memref<!tpu.dma_semaphore, #tpu.memory_space<semaphore_mem>>) src(%dma_wait3A_49 : memref<128x1xf32, #tpu.memory_space<hbm>>) dst(%arg8 : memref<128x1xf32, #tpu.memory_space<vmem>>)
    }
    %scan3A_14 = arith.constant 128 : i32
    "tpu.region"() ({
      %run_scoped3A = tpu.sem_alloc : memref<!tpu.dma_semaphore, #tpu.memory_space<semaphore_mem>>
      %dma_start3A_15 = arith.constant 0 : i32
      %dma_start3A_16 = tpu.memref_slice %arg4[%mul3A_2, %dma_start3A_15] : memref<1048576x1xf32, #tpu.memory_space<hbm>> -> memref<128x1xf32, #tpu.memory_space<hbm>>
      %dma_start3A_17 = arith.constant 0 : i32
      %dma_start3A_18 = tpu.memref_slice %arg4[%mul3A_2, %dma_start3A_17] : memref<1048576x1xf32, #tpu.memory_space<hbm>> -> memref<128x1xf32, #tpu.memory_space<hbm>>
      tpu.enqueue_dma source(%arg9 : memref<128x1xf32, #tpu.memory_space<vmem>>) target(%dma_start3A_18 : memref<128x1xf32, #tpu.memory_space<hbm>>) target_semaphore(%run_scoped3A : memref<!tpu.dma_semaphore, #tpu.memory_space<semaphore_mem>>)
      %dma_wait3A = arith.constant 0 : i32
      %dma_wait3A_19 = tpu.memref_slice %arg4[%mul3A_2, %dma_wait3A] : memref<1048576x1xf32, #tpu.memory_space<hbm>> -> memref<128x1xf32, #tpu.memory_space<hbm>>
      %dma_wait3A_20 = arith.constant 0 : i32
      %dma_wait3A_21 = tpu.memref_slice %arg4[%mul3A_2, %dma_wait3A_20] : memref<1048576x1xf32, #tpu.memory_space<hbm>> -> memref<128x1xf32, #tpu.memory_space<hbm>>
      tpu.wait_dma2 semaphore(%run_scoped3A : memref<!tpu.dma_semaphore, #tpu.memory_space<semaphore_mem>>) src(%arg9 : memref<128x1xf32, #tpu.memory_space<vmem>>) dst(%dma_wait3A_21 : memref<128x1xf32, #tpu.memory_space<hbm>>)
      tpu.yield
    }) : () -> ()
    return
  }
}

</mosaic_0001>

<sc_bundles>
// kernel: _probe.3.cloned.1.call-start
scs
__scs_entry_jumppad:
0x0: {  	(pc) =	sbr.rel $0x88, $3  }
0x1: {  	(tag) =	ssettag $0x0;
	lr =	simm.s32 $0x1  }
0x2: {  	[smem:$0x3F9F] =	sst lr;
	_ =	strace $0xD0000000  }
0x3: {  	_ = 	snop  }
0x4: {  	_ = 	snop  }
0x5: {  	_ = 	snop  }
0x6: {  	_ = 	snop  }
0x7: {  	_ = 	snop  }
__scs_overlays_trampoline_lowered:
0x8: {  	[smem:$0x3FAE] =	sst s0  }
0x9: {  	[smem:$0x3FAF] =	sst s1  }
0xa: {  	[smem:$0x3FB0] =	sst s2  }
0xb: {  	[smem:$0x3FB1] =	sst s3  }
0xc: {  	[smem:$0x3FB2] =	sst s4  }
0xd: {  	[smem:$0x3FB3] =	sst s5  }
0xe: {  	[smem:$0x3FB4] =	sst s6  }
0xf: {  	[smem:$0x3FB5] =	sst s7  }
0x10: {  	[smem:$0x3FB6] =	sst s8  }
0x11: {  	[smem:$0x3FB7] =	sst s9;
	s0 =	simm.s32 @!p0 $0x0  }
0x12: {  	s1 =	sld [smem:$0x3F9D];
	s0 =	simm.s32 @p0 $0x1  }
0x13: {  	[smem:$0x3FB8] =	sst s0;
	s0 =	simm.s32 @!p1 $0x0  }
0x14: {  	s2 =	sld [smem:$0x3F9C];
	s0 =	simm.s32 @p1 $0x1  }
0x15: {  	[smem:$0x3FB9] =	sst s0;
	s0 =	simm.s32 @!p2 $0x0  }
0x16: {  	s3 =	sld [smem:$0x3FDB];
	s0 =	simm.s32 @p2 $0x1  }
0x17: {  	s4 =	simm.s32 $0x1BF5;
	[smem:$0x3FBB] =	sst s0  }
0x18: {  	s0 =	sld [smem:$0x3F9E];
	_ =	swait.ge [sflag:s4], $0x0  }
0x19: {  	s7 =	sld [smem:$0x3F9F]  }
0x1a: {  	s8 =	sadd.s32 $0xFFFFE003, lr  }
0x1b: {  	s9 =	sadd.s32 $0xFFFFFEF7, lr;
	s5 =	simm.s32 $0xFFFFFFFF;
	p2 =	slt.u32 s8, $0xFFFFF086  }
0x1c: {  	p1 =	slt.u32 s9, $0xF7A;
	s5 =	simm.s32 @!p2 $0x0  }
0x1d: {  	s5 =	simm.s32 @p1 $0x1;
	p0 =	seq.s32 s7, s2  }
0x1e: {  	s7 =	smul.u32 @!p0 $0xF7A, s2;
	p2 =	seq.s32 @!p0 s5, $0x0  }
0x1f: {  	s9 =	smul.u32 $0xF7A, s1;
	s8 =	simm.s32 @!p0 $0x1BF5;
	p2 =	por !p2, p0  }
0x20: {  	[sflag:s8] =	ssyncset.s32 @!p0 $0xFFFFF086;
	s6 =	sadd.s32 @!p0 s3, s7;
	s7 =	simm.s32 @!p0 $0x108  }
0x21: {  	s3 =	sadd.s32 s3, s9;
	s6 =	sadd.s32 @!p0 $0x88, s6;
	s7 =	simm.s32 @p2 $0x1082  }
0x22: {  	[simem:s7], [sflag:s8] =	dma.local @!p0 [hbm:s6], $0xF7A  }
0x23: {  	s9 =	sor.u32 $0xD0000000, s2;
	s6 =	simm.s32 $0x108;
	_ =	swait.ge @!p0 [sflag:s8], $0x0  }
0x24: {  	s3 =	sadd.s32 $0x88, s3;
	s6 =	simm.s32 @!p1 $0x1082;
	[sflag:s4] =	ssyncset.s32 $0xFFFFF086  }
0x25: {  	[simem:s6], [sflag:s4] =	dma.local [hbm:s3], $0xF7A  }
0x26: {  	[smem:$0x3F9F] =	sst s1;
	(tag) =	ssettag s2;
	_ =	strace s9  }
0x27: {  	s1 =	sld [smem:$0x3FAF]  }
0x28: {  	s2 =	sld [smem:$0x3FB0]  }
0x29: {  	s4 =	sld [smem:$0x3FB2]  }
0x2a: {  	p0 =	seq.s32 s5, $0x0;
	s5 =	sld [smem:$0x3FB3]  }
0x2b: {  	s6 =	sld [smem:$0x3FB4]  }
0x2c: {  	s7 =	sld [smem:$0x3FB5]  }
0x2d: {  	s3 =	simm.s32 $0x108;
	s8 =	sld [smem:$0x3FB6]  }
0x2e: {  	s3 =	simm.s32 @!p0 $0x1082;
	s9 =	sld [smem:$0x3FB7]  }
0x2f: {  	lr =	sadd.s32 s0, s3;
	s0 =	sld [smem:$0x3FAE]  }
0x30: {  	s3 =	sld [smem:$0x3FB1]  }
0x31: {  	[smem:$0x3FBA] =	sst s10  }
0x32: {  	s10 =	sld [smem:$0x3FB8];
	_ =	sdelay $0x3  }
0x33: {  	p0 =	seq.s32 s10, $0x1;
	s10 =	sld [smem:$0x3FBA];
	_ =	sdelay $0x3  }
0x34: {  	[smem:$0x3FBA] =	sst s10  }
0x35: {  	s10 =	sld [smem:$0x3FB9];
	_ =	sdelay $0x3  }
0x36: {  	p1 =	seq.s32 s10, $0x1;
	s10 =	sld [smem:$0x3FBA];
	_ =	sdelay $0x3  }
0x37: {  	[smem:$0x3FBA] =	sst s10  }
0x38: {  	s10 =	sld [smem:$0x3FBB]  }
0x39: {  	_ = 	snop;
	(pc) =	sbr.ind lr, $3  }
0x3a: {  	_ = 	snop  }
0x3b: {  	_ = 	snop  }
0x3c: {  	p2 =	seq.s32 s10, $0x1;
	s10 =	sld [smem:$0x3FBA]  }
0x3d: {  	_ =	shalt  }
0x3e: {  	_ =	shalt  }
0x3f: {  	_ =	shalt  }
0x40: {  	_ =	shalt  }
0x41: {  	_ =	shalt  }
0x42: {  	_ =	shalt  }
0x43: {  	_ =	shalt  }
0x44: {  	_ =	shalt  }
0x45: {  	_ =	shalt  }
0x46: {  	_ =	shalt  }
0x47: {  	_ =	shalt  }
0x48: {  	_ =	shalt  }
0x49: {  	_ =	shalt  }
0x4a: {  	_ =	shalt  }
0x4b: {  	_ =	shalt  }
0x4c: {  	_ =	shalt  }
0x4d: {  	_ =	shalt  }
0x4e: {  	_ =	shalt  }
0x4f: {  	_ =	shalt  }
0x50: {  	_ =	shalt  }
0x51: {  	_ =	shalt  }
0x52: {  	_ =	shalt  }
0x53: {  	_ =	shalt  }
0x54: {  	_ =	shalt  }
0x55: {  	_ =	shalt  }
0x56: {  	_ =	shalt  }
0x57: {  	_ =	shalt  }
0x58: {  	_ =	shalt  }
0x59: {  	_ =	shalt  }
0x5a: {  	_ =	shalt  }
0x5b: {  	_ =	shalt  }
0x5c: {  	_ =	shalt  }
0x5d: {  	_ =	shalt  }
0x5e: {  	_ =	shalt  }
0x5f: {  	_ =	shalt  }
0x60: {  	_ =	shalt  }
0x61: {  	_ =	shalt  }
0x62: {  	_ =	shalt  }
0x63: {  	_ =	shalt  }
0x64: {  	_ =	shalt  }
0x65: {  	_ =	shalt  }
0x66: {  	_ =	shalt  }
0x67: {  	_ =	shalt  }
0x68: {  	_ =	shalt  }
0x69: {  	_ =	shalt  }
0x6a: {  	_ =	shalt  }
0x6b: {  	_ =	shalt  }
0x6c: {  	_ =	shalt  }
0x6d: {  	_ =	shalt  }
0x6e: {  	_ =	shalt  }
0x6f: {  	_ =	shalt  }
0x70: {  	_ =	shalt  }
0x71: {  	_ =	shalt  }
0x72: {  	_ =	shalt  }
0x73: {  	_ =	shalt  }
0x74: {  	_ =	shalt  }
0x75: {  	_ =	shalt  }
0x76: {  	_ =	shalt  }
0x77: {  	_ =	shalt  }
0x78: {  	_ =	shalt  }
0x79: {  	_ =	shalt  }
0x7a: {  	_ =	shalt  }
0x7b: {  	_ =	shalt  }
0x7c: {  	_ =	shalt  }
0x7d: {  	_ =	shalt  }
0x7e: {  	_ =	shalt  }
0x7f: {  	_ =	shalt  }
0x80: {  	_ =	shalt  }
0x81: {  	_ =	shalt  }
0x82: {  	_ =	shalt  }
0x83: {  	_ =	shalt  }
0x84: {  	_ =	shalt  }
0x85: {  	_ =	shalt  }
0x86: {  	_ =	shalt  }
0x87: {  	_ =	shalt  }
.Lfunc_end0:
.L_simem_size_0:
called_computation_lowered:
.L_overlay_start_0:
0x88: {  	s2 =	sld [smem:$0x3FD9]  }
0x89: {  	s3 =	sld [smem:$0x3FFE];
	_ =	sdelay $0x1  }
0x8a: {  	s1 =	srdreg.scid  }
0x8b: {  	s0 =	sand.u32 $0x1, s1  }
0x8c: {  	s16 =	sshll.u32 s0, $0xA;
	s2 =	sadd.s32 s3, s2  }
0x8d: {  	s2 =	sadd.s32 s2, s16  }
0x8e: {  	[smem:$0x3FC6] =	sst s2  }
0x8f: {  	_ = 	snop  }
0x90: {  	(tm) =	ssettm $0x1  }
0x91: {  	s17 =	sld [smem:$0x3FFB];
	_ =	sdelay $0x3  }
0x92: {  	_ =	strace s17  }
0x93: {  	s2 =	sld [smem:$0x3FFC];
	_ =	sdelay $0x3  }
0x94: {  	_ =	strace s2  }
0x95: {  	s2 =	sld [smem:$0x3FFD];
	_ =	sdelay $0x3  }
0x96: {  	_ =	strace s2  }
0x97: {  	_ =	strace $0x8FFFFFFF  }
0x98: {  	s18 =	sld [smem:$0x3FDB];
	_ =	sdelay $0x1  }
0x99: {  	s19 =	simm.s32 $_scs_section_size  }
0x9a: {  	s4 =	simm.s32 $_size__tile_overlayer_lowered;
	s5 =	simm.s32 $_tile_overlayer_lowered  }
0x9b: {  	s22 =	simm.s32 $0x1BFF;
	s21 =	sshll.u32 s5, $0x1;
	s2 =	sadd.s32 s19, s18  }
0x9c: {  	s6 =	simm.s32 $0x0;
	s20 =	sshll.u32 s4, $0x1;
	s4 =	sadd.s32 s21, s2  }
0x9d: {  	[timem:s6], [sflag:s22] =	dma.local [hbm:s4], s20  }
0x9e: {  	_ =	swait.ge [sflag:s22], s20  }
0x9f: {  	s3 =	ssub.s32 $0x0, s20;
	[sflag:s22] =	ssyncset.done $0x0  }
0xa0: {  	[sflag:s22] =	ssyncadd.s32 s3;
	_ =	sdelay $0x1  }
0xa1: {  	s23 =	simm.s32 $0x1B8B  }
0xa2: {  	_ =	swait.ge [sflag:s23], $0x1  }
0xa3: {  	[sflag:s23] =	ssyncset.done $0x0  }
0xa4: {  	s25 =	simm.s32 $0x1B8E;
	s24 =	sld [smem:$0x3FFE];
	[sflag:s23] =	ssyncadd.s32 $0xFFFFFFFF  }
0xa5: {  	s26 =	simm.s32 $execute0_lowered;
	[smem:$0x3FD2] =	sst s25  }
0xa6: {  	s4 =	sshll.u32 s26, $0x1;
	_ =	strace $0x80000046;
	[dreg:$0x1] =	wrdreg $0xFFFFFFFF  }
0xa7: {  	s28 =	simm.s32 $_size_execute0_lowered;
	s2 =	sadd.s32 s2, s4;
	[dreg:$0x0] =	wrdreg $0x0  }
0xa8: {  	s4 =	sshll.u32 s28, $0x1;
	[dreg:$0x2] =	wrdreg s2  }
0xa9: {  	[dreg:$0x3] =	wrdreg s4  }
0xaa: {  	[dreg:$0x4] =	wrdreg $0xC0  }
0xab: {  	_ =	task [dreg:s6], $0x5FFFF  }
0xac: {  	[dreg:$0x1] =	wrdreg $0xFFFFFFFF  }
0xad: {  	[dreg:$0x0] =	wrdreg $0x60  }
0xae: {  	[dreg:$0x2] =	wrdreg s24  }
0xaf: {  	[dreg:$0x3] =	wrdreg $0x9  }
0xb0: {  	_ =	task.clear_ibuf [dreg:s6], $0x4FFFF;
	_ =	strace $0x90000046  }
0xb1: {  	s29 =	simm.s32 $0x9;
	_ =	strace $0x80000048  }
0xb2: {  	_ =	swait.ge [sflag:s29], $0x1  }
0xb3: {  	[sflag:s29] =	ssyncadd.s32 $0xFFFFFFFF  }
0xb4: {  	_ =	strace $0x90000048  }
0xb5: {  	_ =	sfence  }
0xb6: {  	s30 =	sld [smem:$0x0];
	_ =	sdelay $0x2  }
0xb7: {  	s31 =	sshll.u32 s1, $0xD;
	s1 =	sshrl.u32 s1, $0x2  }
0xb8: {  	s3 =	sand.u32 $0x4000, s31;
	s1 =	sadd.s32 s1, s30  }
0xb9: {  	s0 =	sor.u32 s3, s0;
	s1 =	sshll.u32 s1, $0x11  }
0xba: {  	s0 =	sor.u32 s1, s0  }
0xbb: {  	s0 =	sadd.s32 $0x8F2B, s0  }
0xbc: {  	[sflag:s0] =	ssyncadd.remote.s32 $0x1  }
0xbd: {  	_ =	sfence.sel $0xFFFF  }
0xbe: {  	[dreg:$0x0] =	wrdreg $0xFFFFFFFF;
	(pc) =	sbr.abs _section_cstart, $3  }
0xbf: {  	[dreg:$0x1] =	wrdreg $0xFFFFFFFF  }
0xc0: {  	_ =	task.clear_ibuf [dreg:s6], $0x2FFFF;
	_ =	strace $0x9FFFFFFF  }
0xc1: {  	(tm) =	ssettm $0x7FFFFFFF  }
tec
execute0_lowered:
.L_overlay_start_1:
0x0: {  	(tag) =	ssettag $0x1  }
0x1: {  	s3 =	rddreg [dreg:$0x0]  }
0x2: {  	s0 =	rddreg [dreg:$0x1]  }
0x3: {  	s2 =	simm.s32 $0x0;
	s4 =	srdreg.scid;
	s1 =	stileid.u32  }
0x4: {  	s13 =	simm.s32 $0xC000;
	s14 =	simm.s32 $0x1;
	s15 =	simm.s32 $0x3  }
0x5: {  	s16 =	simm.s32 $0x2;
	s17 =	simm.s32 $0x4;
	s18 =	simm.s32 $0x10000  }
0x6: {  	s19 =	simm.s32 $0x5;
	s20 =	simm.s32 $0x0;
	[smem:$0x7FF] =	sst s2  }
0x7: {  	s4 =	sand.u32 $0x1, s4;
	s9 =	sshll.u32 s1, $0x14;
	s11 =	sadd.s32 $0x600, s3  }
0x8: {  	s12 =	sadd.s32 $0x1000600, s3;
	s10 =	sshll.u32 s4, $0x13;
	s4 =	ssub.s32 $0x2, s4  }
0x9: {  	_ =	strace $0x80000047;
	s5 =	sor.u32 s10, s9;
	s6 =	sshrl.u32 s4, $0x1  }
0xa: {  	s7 =	sadd.s32 s5, s3;
	s6 =	ssub.s32 s4, s6;
	s3 =	sadd.s32 s11, s5  }
0xb: {  	s4 =	sadd.s32 s12, s5;
	s8 =	sor.u32 $0x7F800, s5;
	s5 =	sadd.s32 $0x2000600, s7  }
0xc: {  	s6 =	smax.u32 s6, $0x1;
	s7 =	sadd.s32 s11, s8;
	s11 =	sadd.s32 s9, s11  }
0xd: {  	s8 =	sadd.s32 s12, s8;
	s12 =	sadd.s32 s9, s12;
	s9 =	sadd.s32 s10, s11  }
0xe: {  	s10 =	sadd.s32 s10, s12;
	s11 =	simm.s32 $0x8000;
	s12 =	simm.s32 $0x4000  }
.LBB2_1:
0xf: {  	[tilespmem:s2], [sflag:$0x1] =	stream.linear.gather [hbm4b:s3+s2], $0x4000, $0x38;
	[tilespmem:$0x14000] =	vst v63  }
0x10: {  	s21 =	sadd.s32 $0x0, s9  }
0x11: {  	[tilespmem:s11], [sflag:$0x3] =	stream.linear.gather [hbm4b:s4+s2], $0x4000, $0x38;
	[tilespmem:$0x14000] =	vst v63  }
0x12: {  	s23 =	sadd.s32 $0x0, s10;
	s22 =	sadd.s32 $0x800, s21  }
0x13: {  	[tilespmem:s12], [sflag:$0x2] =	stream.linear.gather [hbm4b:s22+s2], $0x4000, $0x38;
	[tilespmem:$0x14000] =	vst v63  }
0x14: {  	s30 =	sadd.s32 $0x800, s23  }
0x15: {  	[tilespmem:s13], [sflag:$0x4] =	stream.linear.gather [hbm4b:s30+s2], $0x4000, $0x38;
	[tilespmem:$0x14000] =	vst v63  }
0x16: {  	_ =	swait.ge [sflag:s14], $0x4000  }
0x17: {  	[sflag:s14] =	ssyncset.done $0x0  }
0x18: {  	[sflag:s14] =	ssyncadd.s32 $0xFFFFC000  }
0x19: {  	_ =	swait.ge [sflag:s15], $0x4000  }
0x1a: {  	[sflag:s15] =	ssyncset.done $0x0  }
0x1b: {  	s21 =	sadd.s32 $0x1000, s21;
	[sflag:s15] =	ssyncadd.s32 $0xFFFFC000  }
0x1c: {  	[tilespmem:s2], [sflag:$0x1] =	stream.linear.gather [hbm4b:s21+s2], $0x4000, $0x38;
	[tilespmem:$0x14000] =	vst v63  }
0x1d: {  	s31 =	sadd.s32 $0x1000, s23  }
0x1e: {  	[tilespmem:s11], [sflag:$0x3] =	stream.linear.gather [hbm4b:s31+s2], $0x4000, $0x38;
	[tilespmem:$0x14000] =	vst v63  }
0x1f: {  	_ =	swait.ge [sflag:s16], $0x4000  }
0x20: {  	[sflag:s16] =	ssyncset.done $0x0  }
0x21: {  	[sflag:s16] =	ssyncadd.s32 $0xFFFFC000  }
0x22: {  	s23 =	sadd.s32 $0x1000, s9;
	_ =	swait.ge [sflag:s17], $0x4000  }
0x23: {  	s22 =	simm.s32 $0x2000;
	s21 =	simm.s32 $0x1000;
	[sflag:s17] =	ssyncset.done $0x0  }
.LBB2_2:
0x24: {  	s24 =	sadd.s32 $0x800, s23  }
0x25: {  	s25 =	sadd.s32 s21, s10;
	[sflag:s17] =	ssyncadd.s32 $0xFFFFC000;
	s21 =	smov.u32 s22  }
0x26: {  	[tilespmem:s12], [sflag:$0x2] =	stream.linear.gather [hbm4b:s24+s2], $0x4000, $0x38;
	[tilespmem:$0x14000] =	vst v63  }
0x27: {  	p0 =	sne.s32 s22, $0x7E000;
	s22 =	sadd.s32 $0x1000, s22;
	s24 =	sadd.s32 $0x800, s25  }
0x28: {  	[tilespmem:s13], [sflag:$0x4] =	stream.linear.gather [hbm4b:s24+s2], $0x4000, $0x38;
	[tilespmem:$0x14000] =	vst v63  }
0x29: {  	_ =	swait.ge [sflag:s14], $0x4000  }
0x2a: {  	[sflag:s14] =	ssyncset.done $0x0  }
0x2b: {  	[sflag:s14] =	ssyncadd.s32 $0xFFFFC000  }
0x2c: {  	_ =	swait.ge [sflag:s15], $0x4000  }
0x2d: {  	[sflag:s15] =	ssyncset.done $0x0  }
0x2e: {  	s23 =	sadd.s32 $0x1000, s23;
	[sflag:s15] =	ssyncadd.s32 $0xFFFFC000  }
0x2f: {  	[tilespmem:s2], [sflag:$0x1] =	stream.linear.gather [hbm4b:s23+s2], $0x4000, $0x38;
	[tilespmem:$0x14000] =	vst v63  }
0x30: {  	s23 =	sadd.s32 $0x1000, s25  }
0x31: {  	[tilespmem:s11], [sflag:$0x3] =	stream.linear.gather [hbm4b:s23+s2], $0x4000, $0x38;
	[tilespmem:$0x14000] =	vst v63  }
.Ltmp0:
0x32: {  	_ =	swait.ge [sflag:s16], $0x4000;
	(pc) =	sbr.rel @p0 .LBB2_2-.Ltmp0, $4  }
0x33: {  	[sflag:s16] =	ssyncset.done $0x0  }
0x34: {  	[sflag:s16] =	ssyncadd.s32 $0xFFFFC000  }
0x35: {  	_ =	swait.ge [sflag:s17], $0x4000  }
0x36: {  	s23 =	sadd.s32 s21, s9;
	[sflag:s17] =	ssyncset.done $0x0  }
0x37: {  	s22 =	sadd.s32 $0x800, s23;
	s21 =	sadd.s32 s21, s10;
	[sflag:s17] =	ssyncadd.s32 $0xFFFFC000  }
0x38: {  	[tilespmem:s12], [sflag:$0x2] =	stream.linear.gather [hbm4b:s22+s2], $0x4000, $0x38;
	[tilespmem:$0x14000] =	vst v63  }
0x39: {  	s30 =	sadd.s32 $0x800, s21  }
0x3a: {  	[tilespmem:s13], [sflag:$0x4] =	stream.linear.gather [hbm4b:s30+s2], $0x4000, $0x38;
	[tilespmem:$0x14000] =	vst v63  }
0x3b: {  	_ =	swait.ge [sflag:s14], $0x4000  }
0x3c: {  	[sflag:s14] =	ssyncset.done $0x0  }
0x3d: {  	[sflag:s14] =	ssyncadd.s32 $0xFFFFC000  }
0x3e: {  	_ =	swait.ge [sflag:s15], $0x4000  }
0x3f: {  	[sflag:s15] =	ssyncset.done $0x0  }
0x40: {  	s31 =	sadd.s32 $0x1000, s23;
	[sflag:s15] =	ssyncadd.s32 $0xFFFFC000  }
0x41: {  	[tilespmem:s2], [sflag:$0x1] =	stream.linear.gather [hbm4b:s31+s2], $0x4000, $0x38;
	[tilespmem:$0x14000] =	vst v63  }
0x42: {  	s21 =	sadd.s32 $0x1000, s21  }
0x43: {  	[tilespmem:s11], [sflag:$0x3] =	stream.linear.gather [hbm4b:s21+s2], $0x4000, $0x38;
	[tilespmem:$0x14000] =	vst v63  }
0x44: {  	_ =	swait.ge [sflag:s16], $0x4000  }
0x45: {  	[sflag:s16] =	ssyncset.done $0x0  }
0x46: {  	[sflag:s16] =	ssyncadd.s32 $0xFFFFC000  }
0x47: {  	_ =	swait.ge [sflag:s17], $0x4000  }
0x48: {  	[sflag:s17] =	ssyncset.done $0x0  }
0x49: {  	[sflag:s17] =	ssyncadd.s32 $0xFFFFC000  }
0x4a: {  	[tilespmem:s12], [sflag:$0x2] =	stream.linear.gather [hbm4b:s7+s2], $0x4000, $0x38;
	[tilespmem:$0x14000] =	vst v63  }
0x4b: {  	_ = 	snop  }
0x4c: {  	[tilespmem:s13], [sflag:$0x4] =	stream.linear.gather [hbm4b:s8+s2], $0x4000, $0x38;
	[tilespmem:$0x14000] =	vst v63  }
0x4d: {  	_ =	swait.ge [sflag:s14], $0x4000  }
0x4e: {  	[sflag:s14] =	ssyncset.done $0x0  }
0x4f: {  	[sflag:s14] =	ssyncadd.s32 $0xFFFFC000  }
0x50: {  	_ =	swait.ge [sflag:s15], $0x4000  }
0x51: {  	[sflag:s15] =	ssyncset.done $0x0  }
0x52: {  	[sflag:s15] =	ssyncadd.s32 $0xFFFFC000  }
0x53: {  	_ =	swait.ge [sflag:s16], $0x4000  }
0x54: {  	[sflag:s16] =	ssyncset.done $0x0  }
0x55: {  	[sflag:s16] =	ssyncadd.s32 $0xFFFFC000  }
0x56: {  	s20 =	sadd.s32 $0x1, s20;
	_ =	swait.ge [sflag:s17], $0x4000  }
0x57: {  	p0 =	sne.s32 s20, s6;
	[sflag:s17] =	ssyncset.done $0x0  }
.Ltmp1:
0x58: {  	[sflag:s17] =	ssyncadd.s32 $0xFFFFC000;
	(pc) =	sbr.rel @p0 .LBB2_1-.Ltmp1, $4  }
0x59: {  	[hbm4b:s5+s2] =	stream.linear.scatter [tilespmem:s18], [sflag:$0x5], $0x4000, $0x38;
	[tilespmem:$0x14000] =	vst v63  }
0x5a: {  	_ =	swait.ge [sflag:s19], $0x4000  }
0x5b: {  	[sflag:s19] =	ssyncset.done $0x0  }
0x5c: {  	[sflag:s19] =	ssyncadd.s32 $0xFFFFC000  }
0x5d: {  	_ =	sfence.sel $0x180000  }
0x5e: {  	[bflag:$0x0] =	sbarrier.arrive $0xFFFF  }
0x5f: {  	p0 =	sne.s32 s1, $0x0;
	_ =	strace $0x90000047  }
0x60: {  	s0 =	sadd.s32 @!p0 $0x100000, s0;
	[bflag:$0x2] =	sbarrier.arrive $0xFFFF  }
0x61: {  	[sflag:s0] =	ssyncadd.tile.s32 @!p0 $0x1;
	_ =	shalt  }
.Lfunc_end2:
_tile_overlayer_lowered:
.L_overlay_start_2:
0x62: {  	(tag) =	ssettag $0x2  }
0x63: {  	s0 =	rddreg [dreg:$0x0];
	s2 =	stileid.u32  }
0x64: {  	s1 =	rddreg [dreg:$0x1];
	p0 =	sne.s32 s2, $0x0  }
0x65: {  	s3 =	rddreg [dreg:$0x2];
	[bflag:$0x3] =	sbarrier.arrive $0xFFFF;
	s2 =	simm.s32 @!p0 $0x1C05  }
0x66: {  	[timem:s3], [sflag:s2] =	dma.local @!p0 [hbm:s0], s1  }
0x67: {  	s0 =	simm.s32 @!p0 $0x5  }
0x68: {  	_ =	swait.ge @!p0 [sflag:s0], s1  }
0x69: {  	s1 =	ssub.s32 @!p0 $0x0, s1;
	[sflag:s0] =	ssyncset.done @!p0 $0x0  }
0x6a: {  	[sflag:s0] =	ssyncadd.s32 @!p0 s1  }
0x6b: {  	[bflag:$0x3] =	sbarrier.arrive $0xFFFF  }
0x6c: {  	_ =	shalt  }

</sc_bundles>
